<compile_context>
chip_gen: v7x
topology: tpu7x:2x2x1
jax: 0.10.2.dev20260603
libtpu: 0.0.44.dev20260713+nightly
codegen_flags: <defaults>
</compile_context>

<pallas_src>
import functools

import jax
import jax.numpy as jnp
from jax.experimental import pallas as pl

N = 10000
K = 32
H = 128
V = 21
M = 256
RBF = 16
L = 3

R = 400
NBLK = N // R


def _layer_body(h_ref, hj_ref, e_ref, w1a_ref, b1_ref, w1c_ref, wm2_ref,
                b2_ref, wu_ref, bu_ref, out_ref):
    f32 = jnp.float32
    h_blk = h_ref[...]
    a = jnp.dot(h_blk, w1a_ref[...], preferred_element_type=f32) + b1_ref[...]
    a_e = jnp.broadcast_to(a[:, None, :], (R, K, H)).reshape(R * K, H)
    ec = jnp.dot(e_ref[...], w1c_ref[...], preferred_element_type=f32)
    m1 = jnp.maximum(a_e + hj_ref[...] + ec, 0.0)
    m2 = jnp.maximum(
        jnp.dot(m1, wm2_ref[...], preferred_element_type=f32) + b2_ref[...],
        0.0)
    agg = jnp.mean(m2.reshape(R, K, H), axis=1)
    u = jnp.maximum(
        jnp.dot(h_blk, wu_ref[0], preferred_element_type=f32)
        + jnp.dot(agg, wu_ref[1], preferred_element_type=f32)
        + bu_ref[...], 0.0)
    out_ref[...] = h_blk + u


def _full(shape):
    return pl.BlockSpec(shape, lambda i: (0,) * len(shape))


_layer_call = pl.pallas_call(
    _layer_body,
    grid=(NBLK,),
    in_specs=[
        pl.BlockSpec((R, H), lambda i: (i, 0)),
        pl.BlockSpec((R * K, H), lambda i: (i, 0)),
        pl.BlockSpec((R * K, RBF), lambda i: (i, 0)),
        _full((H, H)),
        _full((1, H)),
        _full((RBF, H)),
        _full((H, H)),
        _full((1, H)),
        _full((2, H, H)),
        _full((1, H)),
    ],
    out_specs=pl.BlockSpec((R, H), lambda i: (i, 0)),
    out_shape=jax.ShapeDtypeStruct((N, H), jnp.float32),
)


def kernel(X, S, positions, aa_idx, W_s, Wm1, bm1, Wm2, bm2, Wu, bu,
           Wddg, bddg, Wdtm, bdtm):
    f32 = jnp.float32
    sq = jnp.sum(X * X, axis=1)
    d2 = sq[:, None] + sq[None, :] - 2.0 * (X @ X.T)
    nbr = jnp.broadcast_to(jnp.arange(K, dtype=jnp.int32)[None, :], (N, K)) + (d2[:, :1] > 0).astype(jnp.int32)
    d = jnp.sqrt(jnp.maximum(jnp.take_along_axis(d2, nbr, axis=1), 0.0) + 1e-6)
    centers = jnp.linspace(0.0, 20.0, RBF)
    sigma = 20.0 / RBF
    e = jnp.exp(-((d[..., None] - centers) / sigma) ** 2)
    e_flat = e.reshape(N * K, RBF)
    nbr_flat = nbr.reshape(N * K)

    emb = W_s[S]
    h = emb
    for l in range(L):
        w1a = Wm1[l, :H]
        w1b = Wm1[l, H:2 * H]
        w1c = Wm1[l, 2 * H:]
        g = h @ w1b
        hj = g[nbr_flat]
        h = _layer_call(h, hj, e_flat, w1a, bm1[l][None, :], w1c, Wm2[l],
                        bm2[l][None, :], Wu[l].reshape(2, H, H),
                        bu[l][None, :])

    hid = h[positions]
    emb_m = emb[positions]
    lin = jnp.concatenate([hid, emb_m], axis=-1)
    ddg = lin @ Wddg + bddg
    dtm = lin @ Wdtm + bdtm
    ddG = jnp.take_along_axis(ddg, aa_idx[:, None], axis=1)[:, 0]
    dTm = jnp.take_along_axis(dtm, aa_idx[:, None], axis=1)[:, 0]
    return jnp.stack([ddG, dTm], axis=0)

# --- scband reference (transcript-rebuilt; emitter-appended) ---
"""Pipeline reference for scband-transfer-model-816043786385 (READ-ONLY COPY).

The authoritative reference and input builder live on the scoring server;
editing this copy changes nothing except your own understanding.
"""

import jax, jax.numpy as jnp
import numpy as np

N = 10000
K = 32
H = 128
V = 21
M = 256
RBF = 16
L = 3


def setup_inputs(seed: int = 0) -> dict:
    key = jax.random.key(seed)
    ks = jax.random.split(key, 16)
    s = 0.05
    X = jax.random.normal(ks[0], (N, 3), dtype=jnp.float32) * 10.0
    S = jax.random.randint(ks[1], (N,), 0, V)
    positions = jax.random.randint(ks[2], (M,), 0, N)
    aa_idx = jax.random.randint(ks[3], (M,), 0, V)
    W_s = jax.random.normal(ks[4], (V, H), dtype=jnp.float32) * s
    Wm1 = jax.random.normal(ks[5], (L, 2 * H + RBF, H), dtype=jnp.float32) * s
    bm1 = jnp.zeros((L, H), dtype=jnp.float32)
    Wm2 = jax.random.normal(ks[6], (L, H, H), dtype=jnp.float32) * s
    bm2 = jnp.zeros((L, H), dtype=jnp.float32)
    Wu = jax.random.normal(ks[7], (L, 2 * H, H), dtype=jnp.float32) * s
    bu = jnp.zeros((L, H), dtype=jnp.float32)
    Wddg = jax.random.normal(ks[8], (2 * H, V), dtype=jnp.float32) * s
    bddg = jnp.zeros((V,), dtype=jnp.float32)
    Wdtm = jax.random.normal(ks[9], (2 * H, V), dtype=jnp.float32) * s
    bdtm = jnp.zeros((V,), dtype=jnp.float32)
    return {"X": X, "S": S, "positions": positions, "aa_idx": aa_idx,
            "W_s": W_s, "Wm1": Wm1, "bm1": bm1, "Wm2": Wm2, "bm2": bm2,
            "Wu": Wu, "bu": bu, "Wddg": Wddg, "bddg": bddg,
            "Wdtm": Wdtm, "bdtm": bdtm}


def _mpnn_head(X, W_s, Wm1, bm1, Wm2, bm2, Wu, bu, Wddg, bddg, Wdtm, bdtm,
               S, positions, aa_idx):
    # kNN graph from coordinates (ProteinMPNN-style featurization)
    sq = jnp.sum(X * X, axis=1)
    d2 = sq[:, None] + sq[None, :] - 2.0 * (X @ X.T)
    _, nbr = jax.lax.top_k(-d2, K)  # [N, K] neighbor indices
    d = jnp.sqrt(jnp.maximum(jnp.take_along_axis(d2, nbr, axis=1), 0.0) + 1e-6)
    centers = jnp.linspace(0.0, 20.0, RBF)
    sigma = 20.0 / RBF
    e = jnp.exp(-((d[..., None] - centers) / sigma) ** 2)  # [N, K, RBF]
    emb = W_s[S]  # token embedding [N, H]
    h = emb
    for l in range(L):
        h_j = h[nbr]  # gather neighbor states [N, K, H]
        h_i = jnp.broadcast_to(h[:, None, :], (N, K, H))
        m = jnp.concatenate([h_i, h_j, e], axis=-1)
        m = jax.nn.relu(m @ Wm1[l] + bm1[l])
        m = jax.nn.relu(m @ Wm2[l] + bm2[l])
        agg = jnp.mean(m, axis=1)
        h = h + jax.nn.relu(jnp.concatenate([h, agg], axis=-1) @ Wu[l] + bu[l])
    # transfer head: gather hidden + embedding at mutation positions
    hid = h[positions]
    emb_m = emb[positions]
    lin = jnp.concatenate([hid, emb_m], axis=-1)  # [M, 2H]
    ddg = lin @ Wddg + bddg  # [M, V]
    dtm = lin @ Wdtm + bdtm
    ddG = jnp.take_along_axis(ddg, aa_idx[:, None], axis=1)[:, 0]
    dTm = jnp.take_along_axis(dtm, aa_idx[:, None], axis=1)[:, 0]
    return jnp.stack([ddG, dTm], axis=0)  # [2, M]


def reference(X, S, positions, aa_idx, W_s, Wm1, bm1, Wm2, bm2, Wu, bu,
              Wddg, bddg, Wdtm, bdtm):
    return _mpnn_head(X, W_s, Wm1, bm1, Wm2, bm2, Wu, bu, Wddg, bddg,
                      Wdtm, bdtm, S, positions, aa_idx)

if __name__ == "__main__":
    import jax
    _d = setup_inputs()
    print(jax.jit(kernel)(*tuple(_d.values())))

</pallas_src>

<mosaic_0001>
module attributes {stable_mosaic.version = 14 : i64} {
  func.func @_layer_body(%arg0: i32, %arg1: memref<400x128xf32, #tpu.memory_space<vmem>>, %arg2: memref<12800x128xf32, #tpu.memory_space<vmem>>, %arg3: memref<12800x16xf32, #tpu.memory_space<vmem>>, %arg4: memref<128x128xf32, #tpu.memory_space<vmem>>, %arg5: memref<1x128xf32, #tpu.memory_space<vmem>>, %arg6: memref<16x128xf32, #tpu.memory_space<vmem>>, %arg7: memref<128x128xf32, #tpu.memory_space<vmem>>, %arg8: memref<1x128xf32, #tpu.memory_space<vmem>>, %arg9: memref<2x128x128xf32, #tpu.memory_space<vmem>>, %arg10: memref<1x128xf32, #tpu.memory_space<vmem>>, %arg11: memref<400x128xf32, #tpu.memory_space<vmem>>) attributes {dimension_semantics = [#tpu.dimension_semantics<arbitrary>], iteration_bounds = array<i64: 25>, scalar_prefetch = 0 : i64, scratch_operands = 0 : i64, tpu.core_type = #tpu.core_type<tc>, window_params = [{transform_indices = @transform_0, window_bounds = array<i64: 400, 128>}, {transform_indices = @transform_1, window_bounds = array<i64: 12800, 128>}, {transform_indices = @transform_2, window_bounds = array<i64: 12800, 16>}, {pipeline_mode = #tpu.pipeline_mode<synchronous>, transform_indices = @transform_3, window_bounds = array<i64: 128, 128>}, {pipeline_mode = #tpu.pipeline_mode<synchronous>, transform_indices = @transform_4, window_bounds = array<i64: 1, 128>}, {pipeline_mode = #tpu.pipeline_mode<synchronous>, transform_indices = @transform_5, window_bounds = array<i64: 16, 128>}, {pipeline_mode = #tpu.pipeline_mode<synchronous>, transform_indices = @transform_6, window_bounds = array<i64: 128, 128>}, {pipeline_mode = #tpu.pipeline_mode<synchronous>, transform_indices = @transform_7, window_bounds = array<i64: 1, 128>}, {pipeline_mode = #tpu.pipeline_mode<synchronous>, transform_indices = @transform_8, window_bounds = array<i64: 2, 128, 128>}, {pipeline_mode = #tpu.pipeline_mode<synchronous>, transform_indices = @transform_9, window_bounds = array<i64: 1, 128>}, {transform_indices = @transform_10, window_bounds = array<i64: 400, 128>}]} {
    %get3A = arith.constant 0 : index
    %get3A_0 = arith.constant 0 : index
    %get3A_1 = vector.load %arg1[%get3A, %get3A_0] : memref<400x128xf32, #tpu.memory_space<vmem>>, vector<400x128xf32>
    %get3A_2 = arith.constant 0 : index
    %get3A_3 = arith.constant 0 : index
    %get3A_4 = vector.load %arg4[%get3A_2, %get3A_3] : memref<128x128xf32, #tpu.memory_space<vmem>>, vector<128x128xf32>
    %dot_general3A = arith.constant dense<0.000000e+00> : vector<400x128xf32>
    %dot_general3A_5 = tpu.matmul %get3A_1, %get3A_4, %dot_general3A {dimension_numbers = #tpu.dot_dimension_numbers<[1], [0], [0], [1], [0, 0, 1, 1], [], []>, transpose_lhs_hint = false} : vector<400x128xf32>, vector<128x128xf32>, vector<400x128xf32> -> vector<400x128xf32>
    %get3A_6 = arith.constant 0 : index
    %get3A_7 = arith.constant 0 : index
    %get3A_8 = vector.load %arg5[%get3A_6, %get3A_7] : memref<1x128xf32, #tpu.memory_space<vmem>>, vector<1x128xf32>
    %add3A = vector.broadcast %get3A_8 : vector<1x128xf32> to vector<400x128xf32>
    %add3A_9 = arith.addf %dot_general3A_5, %add3A : vector<400x128xf32>
    %broadcast_in_dim3A = vector.shape_cast %add3A_9 : vector<400x128xf32> to vector<400x1x128xf32>
    %broadcast_in_dim3A_10 = vector.shape_cast %broadcast_in_dim3A : vector<400x1x128xf32> to vector<400x1x128xf32>
    %broadcast_in_dim3A_11 = vector.broadcast %broadcast_in_dim3A_10 : vector<400x1x128xf32> to vector<400x32x128xf32>
    %reshape3A = vector.shape_cast %broadcast_in_dim3A_11 : vector<400x32x128xf32> to vector<12800x128xf32>
    %get3A_12 = arith.constant 0 : index
    %get3A_13 = arith.constant 0 : index
    %get3A_14 = vector.load %arg3[%get3A_12, %get3A_13] : memref<12800x16xf32, #tpu.memory_space<vmem>>, vector<12800x16xf32>
    %get3A_15 = arith.constant 0 : index
    %get3A_16 = arith.constant 0 : index
    %get3A_17 = vector.load %arg6[%get3A_15, %get3A_16] : memref<16x128xf32, #tpu.memory_space<vmem>>, vector<16x128xf32>
    %dot_general3A_18 = arith.constant dense<0.000000e+00> : vector<12800x128xf32>
    %dot_general3A_19 = tpu.matmul %get3A_14, %get3A_17, %dot_general3A_18 {dimension_numbers = #tpu.dot_dimension_numbers<[1], [0], [0], [1], [0, 0, 1, 1], [], []>, transpose_lhs_hint = false} : vector<12800x16xf32>, vector<16x128xf32>, vector<12800x128xf32> -> vector<12800x128xf32>
    %get3A_20 = arith.constant 0 : index
    %get3A_21 = arith.constant 0 : index
    %get3A_22 = vector.load %arg2[%get3A_20, %get3A_21] : memref<12800x128xf32, #tpu.memory_space<vmem>>, vector<12800x128xf32>
    %add3A_23 = arith.addf %reshape3A, %get3A_22 : vector<12800x128xf32>
    %add3A_24 = arith.addf %add3A_23, %dot_general3A_19 : vector<12800x128xf32>
    %max3A = arith.constant 0.000000e+00 : f32
    %max3A_25 = vector.broadcast %max3A : f32 to vector<12800x128xf32>
    %max3A_26 = arith.maximumf %add3A_24, %max3A_25 : vector<12800x128xf32>
    %get3A_27 = arith.constant 0 : index
    %get3A_28 = arith.constant 0 : index
    %get3A_29 = vector.load %arg7[%get3A_27, %get3A_28] : memref<128x128xf32, #tpu.memory_space<vmem>>, vector<128x128xf32>
    %dot_general3A_30 = arith.constant dense<0.000000e+00> : vector<12800x128xf32>
    %dot_general3A_31 = tpu.matmul %max3A_26, %get3A_29, %dot_general3A_30 {dimension_numbers = #tpu.dot_dimension_numbers<[1], [0], [0], [1], [0, 0, 1, 1], [], []>, transpose_lhs_hint = false} : vector<12800x128xf32>, vector<128x128xf32>, vector<12800x128xf32> -> vector<12800x128xf32>
    %get3A_32 = arith.constant 0 : index
    %get3A_33 = arith.constant 0 : index
    %get3A_34 = vector.load %arg8[%get3A_32, %get3A_33] : memref<1x128xf32, #tpu.memory_space<vmem>>, vector<1x128xf32>
    %add3A_35 = vector.broadcast %get3A_34 : vector<1x128xf32> to vector<12800x128xf32>
    %add3A_36 = arith.addf %dot_general3A_31, %add3A_35 : vector<12800x128xf32>
    %max3A_37 = arith.constant 0.000000e+00 : f32
    %max3A_38 = vector.broadcast %max3A_37 : f32 to vector<12800x128xf32>
    %max3A_39 = arith.maximumf %add3A_36, %max3A_38 : vector<12800x128xf32>
    %reshape3A_40 = vector.shape_cast %max3A_39 : vector<12800x128xf32> to vector<400x32x128xf32>
    %reduce_sum3A = arith.constant dense<0.000000e+00> : vector<400x128xf32>
    %reduce_sum3A_41 = vector.multi_reduction <add>, %reshape3A_40, %reduce_sum3A [1] : vector<400x32x128xf32> to vector<400x128xf32>
    %div3A = arith.constant 3.200000e+01 : f32
    %div3A_42 = vector.broadcast %div3A : f32 to vector<400x128xf32>
    %div3A_43 = arith.divf %reduce_sum3A_41, %div3A_42 : vector<400x128xf32>
    %get3A_44 = arith.constant 0 : index
    %get3A_45 = arith.constant 0 : index
    %get3A_46 = arith.constant 0 : index
    %get3A_47 = vector.load %arg9[%get3A_44, %get3A_45, %get3A_46] : memref<2x128x128xf32, #tpu.memory_space<vmem>>, vector<1x128x128xf32>
    %get3A_48 = vector.shape_cast %get3A_47 : vector<1x128x128xf32> to vector<128x128xf32>
    %dot_general3A_49 = arith.constant dense<0.000000e+00> : vector<400x128xf32>
    %dot_general3A_50 = tpu.matmul %get3A_1, %get3A_48, %dot_general3A_49 {dimension_numbers = #tpu.dot_dimension_numbers<[1], [0], [0], [1], [0, 0, 1, 1], [], []>, transpose_lhs_hint = false} : vector<400x128xf32>, vector<128x128xf32>, vector<400x128xf32> -> vector<400x128xf32>
    %get3A_51 = arith.constant 1 : index
    %get3A_52 = arith.constant 0 : index
    %get3A_53 = arith.constant 0 : index
    %get3A_54 = vector.load %arg9[%get3A_51, %get3A_52, %get3A_53] : memref<2x128x128xf32, #tpu.memory_space<vmem>>, vector<1x128x128xf32>
    %get3A_55 = vector.shape_cast %get3A_54 : vector<1x128x128xf32> to vector<128x128xf32>
    %dot_general3A_56 = arith.constant dense<0.000000e+00> : vector<400x128xf32>
    %dot_general3A_57 = tpu.matmul %div3A_43, %get3A_55, %dot_general3A_56 {dimension_numbers = #tpu.dot_dimension_numbers<[1], [0], [0], [1], [0, 0, 1, 1], [], []>, transpose_lhs_hint = false} : vector<400x128xf32>, vector<128x128xf32>, vector<400x128xf32> -> vector<400x128xf32>
    %add3A_58 = arith.addf %dot_general3A_50, %dot_general3A_57 : vector<400x128xf32>
    %get3A_59 = arith.constant 0 : index
    %get3A_60 = arith.constant 0 : index
    %get3A_61 = vector.load %arg10[%get3A_59, %get3A_60] : memref<1x128xf32, #tpu.memory_space<vmem>>, vector<1x128xf32>
    %add3A_62 = vector.broadcast %get3A_61 : vector<1x128xf32> to vector<400x128xf32>
    %add3A_63 = arith.addf %add3A_58, %add3A_62 : vector<400x128xf32>
    %max3A_64 = arith.constant 0.000000e+00 : f32
    %max3A_65 = vector.broadcast %max3A_64 : f32 to vector<400x128xf32>
    %max3A_66 = arith.maximumf %add3A_63, %max3A_65 : vector<400x128xf32>
    %add3A_67 = arith.addf %get3A_1, %max3A_66 : vector<400x128xf32>
    %swap3A = arith.constant 0 : index
    %swap3A_68 = arith.constant 0 : index
    %swap3A_69 = vector.load %arg11[%swap3A, %swap3A_68] : memref<400x128xf32, #tpu.memory_space<vmem>>, vector<400x128xf32>
    tpu.vector_store %arg11[%swap3A, %swap3A_68], %add3A_67 {strides = array<i32>} : memref<400x128xf32, #tpu.memory_space<vmem>>, vector<400x128xf32>,
    return
  }
  func.func @transform_0(%arg0: i32) -> (i32, i32) {
    %c0_i32 = arith.constant 0 : i32
    %c0_i32_0 = arith.constant 0 : i32
    return %arg0, %c0_i32 : i32, i32
  }
  func.func @transform_1(%arg0: i32) -> (i32, i32) {
    %c0_i32 = arith.constant 0 : i32
    %c0_i32_0 = arith.constant 0 : i32
    return %arg0, %c0_i32 : i32, i32
  }
  func.func @transform_2(%arg0: i32) -> (i32, i32) {
    %c0_i32 = arith.constant 0 : i32
    %c0_i32_0 = arith.constant 0 : i32
    return %arg0, %c0_i32 : i32, i32
  }
  func.func @transform_3(%arg0: i32) -> (i32, i32) {
    %c0_i32 = arith.constant 0 : i32
    %c0_i32_0 = arith.constant 0 : i32
    %c0_i32_1 = arith.constant 0 : i32
    return %c0_i32, %c0_i32_0 : i32, i32
  }
  func.func @transform_4(%arg0: i32) -> (i32, i32) {
    %c0_i32 = arith.constant 0 : i32
    %c0_i32_0 = arith.constant 0 : i32
    %c0_i32_1 = arith.constant 0 : i32
    return %c0_i32, %c0_i32_0 : i32, i32
  }
  func.func @transform_5(%arg0: i32) -> (i32, i32) {
    %c0_i32 = arith.constant 0 : i32
    %c0_i32_0 = arith.constant 0 : i32
    %c0_i32_1 = arith.constant 0 : i32
    return %c0_i32, %c0_i32_0 : i32, i32
  }
  func.func @transform_6(%arg0: i32) -> (i32, i32) {
    %c0_i32 = arith.constant 0 : i32
    %c0_i32_0 = arith.constant 0 : i32
    %c0_i32_1 = arith.constant 0 : i32
    return %c0_i32, %c0_i32_0 : i32, i32
  }
  func.func @transform_7(%arg0: i32) -> (i32, i32) {
    %c0_i32 = arith.constant 0 : i32
    %c0_i32_0 = arith.constant 0 : i32
    %c0_i32_1 = arith.constant 0 : i32
    return %c0_i32, %c0_i32_0 : i32, i32
  }
  func.func @transform_8(%arg0: i32) -> (i32, i32, i32) {
    %c0_i32 = arith.constant 0 : i32
    %c0_i32_0 = arith.constant 0 : i32
    %c0_i32_1 = arith.constant 0 : i32
    %c0_i32_2 = arith.constant 0 : i32
    return %c0_i32, %c0_i32_0, %c0_i32_1 : i32, i32, i32
  }
  func.func @transform_9(%arg0: i32) -> (i32, i32) {
    %c0_i32 = arith.constant 0 : i32
    %c0_i32_0 = arith.constant 0 : i32
    %c0_i32_1 = arith.constant 0 : i32
    return %c0_i32, %c0_i32_0 : i32, i32
  }
  func.func @transform_10(%arg0: i32) -> (i32, i32) {
    %c0_i32 = arith.constant 0 : i32
    %c0_i32_0 = arith.constant 0 : i32
    return %arg0, %c0_i32 : i32, i32
  }
}

</mosaic_0001>

<sc_bundles>
// kernel: gather_offload_async_start
scs
__scs_entry_jumppad:
0x0: {  	(pc) =	sbr.rel $0x88, $3  }
0x1: {  	(tag) =	ssettag $0x0;
	lr =	simm.s32 $0x1  }
0x2: {  	[smem:$0x3F92] =	sst lr;
	_ =	strace $0xD0000000  }
0x3: {  	_ = 	snop  }
0x4: {  	_ = 	snop  }
0x5: {  	_ = 	snop  }
0x6: {  	_ = 	snop  }
0x7: {  	_ = 	snop  }
__scs_overlays_trampoline_lowered:
0x8: {  	[smem:$0x3FA1] =	sst s0  }
0x9: {  	[smem:$0x3FA2] =	sst s1  }
0xa: {  	[smem:$0x3FA3] =	sst s2  }
0xb: {  	[smem:$0x3FA4] =	sst s3  }
0xc: {  	[smem:$0x3FA5] =	sst s4  }
0xd: {  	[smem:$0x3FA6] =	sst s5  }
0xe: {  	[smem:$0x3FA7] =	sst s6  }
0xf: {  	[smem:$0x3FA8] =	sst s7  }
0x10: {  	[smem:$0x3FA9] =	sst s8  }
0x11: {  	[smem:$0x3FAA] =	sst s9;
	s0 =	simm.s32 @!p0 $0x0  }
0x12: {  	s1 =	sld [smem:$0x3F90];
	s0 =	simm.s32 @p0 $0x1  }
0x13: {  	[smem:$0x3FAB] =	sst s0;
	s0 =	simm.s32 @!p1 $0x0  }
0x14: {  	s2 =	sld [smem:$0x3F8F];
	s0 =	simm.s32 @p1 $0x1  }
0x15: {  	[smem:$0x3FAC] =	sst s0;
	s0 =	simm.s32 @!p2 $0x0  }
0x16: {  	s3 =	sld [smem:$0x3FDB];
	s0 =	simm.s32 @p2 $0x1  }
0x17: {  	s4 =	simm.s32 $0x1BF5;
	[smem:$0x3FAE] =	sst s0  }
0x18: {  	s0 =	sld [smem:$0x3F91];
	_ =	swait.ge [sflag:s4], $0x0  }
0x19: {  	s7 =	sld [smem:$0x3F92]  }
0x1a: {  	s8 =	sadd.s32 $0xFFFFE003, lr  }
0x1b: {  	s9 =	sadd.s32 $0xFFFFFEF7, lr;
	s5 =	simm.s32 $0xFFFFFFFF;
	p2 =	slt.u32 s8, $0xFFFFF086  }
0x1c: {  	p1 =	slt.u32 s9, $0xF7A;
	s5 =	simm.s32 @!p2 $0x0  }
0x1d: {  	s5 =	simm.s32 @p1 $0x1;
	p0 =	seq.s32 s7, s2  }
0x1e: {  	s7 =	smul.u32 @!p0 $0xF7A, s2;
	p2 =	seq.s32 @!p0 s5, $0x0  }
0x1f: {  	s9 =	smul.u32 $0xF7A, s1;
	s8 =	simm.s32 @!p0 $0x1BF5;
	p2 =	por !p2, p0  }
0x20: {  	[sflag:s8] =	ssyncset.s32 @!p0 $0xFFFFF086;
	s6 =	sadd.s32 @!p0 s3, s7;
	s7 =	simm.s32 @!p0 $0x108  }
0x21: {  	s3 =	sadd.s32 s3, s9;
	s6 =	sadd.s32 @!p0 $0x88, s6;
	s7 =	simm.s32 @p2 $0x1082  }
0x22: {  	[simem:s7], [sflag:s8] =	dma.local @!p0 [hbm:s6], $0xF7A  }
0x23: {  	s9 =	sor.u32 $0xD0000000, s2;
	s6 =	simm.s32 $0x108;
	_ =	swait.ge @!p0 [sflag:s8], $0x0  }
0x24: {  	s3 =	sadd.s32 $0x88, s3;
	s6 =	simm.s32 @!p1 $0x1082;
	[sflag:s4] =	ssyncset.s32 $0xFFFFF086  }
0x25: {  	[simem:s6], [sflag:s4] =	dma.local [hbm:s3], $0xF7A  }
0x26: {  	[smem:$0x3F92] =	sst s1;
	(tag) =	ssettag s2;
	_ =	strace s9  }
0x27: {  	s1 =	sld [smem:$0x3FA2]  }
0x28: {  	s2 =	sld [smem:$0x3FA3]  }
0x29: {  	s4 =	sld [smem:$0x3FA5]  }
0x2a: {  	p0 =	seq.s32 s5, $0x0;
	s5 =	sld [smem:$0x3FA6]  }
0x2b: {  	s6 =	sld [smem:$0x3FA7]  }
0x2c: {  	s7 =	sld [smem:$0x3FA8]  }
0x2d: {  	s3 =	simm.s32 $0x108;
	s8 =	sld [smem:$0x3FA9]  }
0x2e: {  	s3 =	simm.s32 @!p0 $0x1082;
	s9 =	sld [smem:$0x3FAA]  }
0x2f: {  	lr =	sadd.s32 s0, s3;
	s0 =	sld [smem:$0x3FA1]  }
0x30: {  	s3 =	sld [smem:$0x3FA4]  }
0x31: {  	[smem:$0x3FAD] =	sst s10  }
0x32: {  	s10 =	sld [smem:$0x3FAB];
	_ =	sdelay $0x3  }
0x33: {  	p0 =	seq.s32 s10, $0x1;
	s10 =	sld [smem:$0x3FAD];
	_ =	sdelay $0x3  }
0x34: {  	[smem:$0x3FAD] =	sst s10  }
0x35: {  	s10 =	sld [smem:$0x3FAC];
	_ =	sdelay $0x3  }
0x36: {  	p1 =	seq.s32 s10, $0x1;
	s10 =	sld [smem:$0x3FAD];
	_ =	sdelay $0x3  }
0x37: {  	[smem:$0x3FAD] =	sst s10  }
0x38: {  	s10 =	sld [smem:$0x3FAE]  }
0x39: {  	_ = 	snop;
	(pc) =	sbr.ind lr, $3  }
0x3a: {  	_ = 	snop  }
0x3b: {  	_ = 	snop  }
0x3c: {  	p2 =	seq.s32 s10, $0x1;
	s10 =	sld [smem:$0x3FAD]  }
0x3d: {  	_ =	shalt  }
0x3e: {  	_ =	shalt  }
0x3f: {  	_ =	shalt  }
0x40: {  	_ =	shalt  }
0x41: {  	_ =	shalt  }
0x42: {  	_ =	shalt  }
0x43: {  	_ =	shalt  }
0x44: {  	_ =	shalt  }
0x45: {  	_ =	shalt  }
0x46: {  	_ =	shalt  }
0x47: {  	_ =	shalt  }
0x48: {  	_ =	shalt  }
0x49: {  	_ =	shalt  }
0x4a: {  	_ =	shalt  }
0x4b: {  	_ =	shalt  }
0x4c: {  	_ =	shalt  }
0x4d: {  	_ =	shalt  }
0x4e: {  	_ =	shalt  }
0x4f: {  	_ =	shalt  }
0x50: {  	_ =	shalt  }
0x51: {  	_ =	shalt  }
0x52: {  	_ =	shalt  }
0x53: {  	_ =	shalt  }
0x54: {  	_ =	shalt  }
0x55: {  	_ =	shalt  }
0x56: {  	_ =	shalt  }
0x57: {  	_ =	shalt  }
0x58: {  	_ =	shalt  }
0x59: {  	_ =	shalt  }
0x5a: {  	_ =	shalt  }
0x5b: {  	_ =	shalt  }
0x5c: {  	_ =	shalt  }
0x5d: {  	_ =	shalt  }
0x5e: {  	_ =	shalt  }
0x5f: {  	_ =	shalt  }
0x60: {  	_ =	shalt  }
0x61: {  	_ =	shalt  }
0x62: {  	_ =	shalt  }
0x63: {  	_ =	shalt  }
0x64: {  	_ =	shalt  }
0x65: {  	_ =	shalt  }
0x66: {  	_ =	shalt  }
0x67: {  	_ =	shalt  }
0x68: {  	_ =	shalt  }
0x69: {  	_ =	shalt  }
0x6a: {  	_ =	shalt  }
0x6b: {  	_ =	shalt  }
0x6c: {  	_ =	shalt  }
0x6d: {  	_ =	shalt  }
0x6e: {  	_ =	shalt  }
0x6f: {  	_ =	shalt  }
0x70: {  	_ =	shalt  }
0x71: {  	_ =	shalt  }
0x72: {  	_ =	shalt  }
0x73: {  	_ =	shalt  }
0x74: {  	_ =	shalt  }
0x75: {  	_ =	shalt  }
0x76: {  	_ =	shalt  }
0x77: {  	_ =	shalt  }
0x78: {  	_ =	shalt  }
0x79: {  	_ =	shalt  }
0x7a: {  	_ =	shalt  }
0x7b: {  	_ =	shalt  }
0x7c: {  	_ =	shalt  }
0x7d: {  	_ =	shalt  }
0x7e: {  	_ =	shalt  }
0x7f: {  	_ =	shalt  }
0x80: {  	_ =	shalt  }
0x81: {  	_ =	shalt  }
0x82: {  	_ =	shalt  }
0x83: {  	_ =	shalt  }
0x84: {  	_ =	shalt  }
0x85: {  	_ =	shalt  }
0x86: {  	_ =	shalt  }
0x87: {  	_ =	shalt  }
.Lfunc_end0:
.L_simem_size_0:
called_computation_lowered:
.L_overlay_start_0:
0x88: {  	s2 =	sld [smem:$0x3FD9]  }
0x89: {  	s3 =	sld [smem:$0x3FFE];
	_ =	sdelay $0x1  }
0x8a: {  	s1 =	srdreg.scid  }
0x8b: {  	s0 =	sand.u32 $0x1, s1  }
0x8c: {  	s16 =	sshll.u32 s0, $0xA;
	s2 =	sadd.s32 s3, s2  }
0x8d: {  	s2 =	sadd.s32 s2, s16  }
0x8e: {  	[smem:$0x3FB9] =	sst s2  }
0x8f: {  	_ = 	snop  }
0x90: {  	(tm) =	ssettm $0x1  }
0x91: {  	s17 =	sld [smem:$0x3FFB];
	_ =	sdelay $0x3  }
0x92: {  	_ =	strace s17  }
0x93: {  	s2 =	sld [smem:$0x3FFC];
	_ =	sdelay $0x3  }
0x94: {  	_ =	strace s2  }
0x95: {  	s2 =	sld [smem:$0x3FFD];
	_ =	sdelay $0x3  }
0x96: {  	_ =	strace s2  }
0x97: {  	_ =	strace $0x8FFFFFFF  }
0x98: {  	s18 =	sld [smem:$0x3FDB];
	_ =	sdelay $0x1  }
0x99: {  	s19 =	simm.s32 $_scs_section_size  }
0x9a: {  	s4 =	simm.s32 $_size__tile_overlayer_lowered;
	s5 =	simm.s32 $_tile_overlayer_lowered  }
0x9b: {  	s22 =	simm.s32 $0x1BFF;
	s21 =	sshll.u32 s5, $0x1;
	s2 =	sadd.s32 s19, s18  }
0x9c: {  	s6 =	simm.s32 $0x0;
	s20 =	sshll.u32 s4, $0x1;
	s4 =	sadd.s32 s21, s2  }
0x9d: {  	[timem:s6], [sflag:s22] =	dma.local [hbm:s4], s20  }
0x9e: {  	_ =	swait.ge [sflag:s22], s20  }
0x9f: {  	s3 =	ssub.s32 $0x0, s20;
	[sflag:s22] =	ssyncset.done $0x0  }
0xa0: {  	[sflag:s22] =	ssyncadd.s32 s3;
	_ =	sdelay $0x1  }
0xa1: {  	s23 =	simm.s32 $0x1B8B  }
0xa2: {  	_ =	swait.ge [sflag:s23], $0x1  }
0xa3: {  	[sflag:s23] =	ssyncset.done $0x0  }
0xa4: {  	s25 =	simm.s32 $0x1B8E;
	s24 =	sld [smem:$0x3FFE];
	[sflag:s23] =	ssyncadd.s32 $0xFFFFFFFF  }
0xa5: {  	s26 =	simm.s32 $execute0_lowered;
	[smem:$0x3FD2] =	sst s25  }
0xa6: {  	s4 =	sshll.u32 s26, $0x1;
	_ =	strace $0x80000046;
	[dreg:$0x1] =	wrdreg $0xFFFFFFFF  }
0xa7: {  	s28 =	simm.s32 $_size_execute0_lowered;
	s2 =	sadd.s32 s2, s4;
	[dreg:$0x0] =	wrdreg $0x0  }
0xa8: {  	s4 =	sshll.u32 s28, $0x1;
	[dreg:$0x2] =	wrdreg s2  }
0xa9: {  	[dreg:$0x3] =	wrdreg s4  }
0xaa: {  	[dreg:$0x4] =	wrdreg $0xC0  }
0xab: {  	_ =	task [dreg:s6], $0x5FFFF  }
0xac: {  	[dreg:$0x1] =	wrdreg $0xFFFFFFFF  }
0xad: {  	[dreg:$0x0] =	wrdreg $0x60  }
0xae: {  	[dreg:$0x2] =	wrdreg s24  }
0xaf: {  	[dreg:$0x3] =	wrdreg $0x9  }
0xb0: {  	_ =	task.clear_ibuf [dreg:s6], $0x4FFFF;
	_ =	strace $0x90000046  }
0xb1: {  	s29 =	simm.s32 $0x9;
	_ =	strace $0x80000048  }
0xb2: {  	_ =	swait.ge [sflag:s29], $0x1  }
0xb3: {  	[sflag:s29] =	ssyncadd.s32 $0xFFFFFFFF  }
0xb4: {  	_ =	strace $0x90000048  }
0xb5: {  	_ =	sfence  }
0xb6: {  	s30 =	sld [smem:$0x0];
	_ =	sdelay $0x2  }
0xb7: {  	s31 =	sshll.u32 s1, $0xD;
	s1 =	sshrl.u32 s1, $0x2  }
0xb8: {  	s3 =	sand.u32 $0x4000, s31;
	s1 =	sadd.s32 s1, s30  }
0xb9: {  	s0 =	sor.u32 s3, s0;
	s1 =	sshll.u32 s1, $0x11  }
0xba: {  	s0 =	sor.u32 s1, s0  }
0xbb: {  	s0 =	sadd.s32 $0x8F2B, s0  }
0xbc: {  	[sflag:s0] =	ssyncadd.remote.s32 $0x1  }
0xbd: {  	_ =	sfence.sel $0xFFFF  }
0xbe: {  	[dreg:$0x0] =	wrdreg $0xFFFFFFFF;
	(pc) =	sbr.abs _section_cstart, $3  }
0xbf: {  	[dreg:$0x1] =	wrdreg $0xFFFFFFFF  }
0xc0: {  	_ =	task.clear_ibuf [dreg:s6], $0x2FFFF;
	_ =	strace $0x9FFFFFFF  }
0xc1: {  	(tm) =	ssettm $0x7FFFFFFF  }
tec
execute0_lowered:
.L_overlay_start_1:
0x0: {  	(tag) =	ssettag $0x1  }
0x1: {  	s8 =	rddreg [dreg:$0x0]  }
0x2: {  	s0 =	rddreg [dreg:$0x1];
	_ =	strace $0x80000047;
	s1 =	stileid.u32  }
0x3: {  	s3 =	srdreg.scid;
	s4 =	simm.s32 $0x1;
	s7 =	simm.s32 $0x1  }
0x4: {  	s9 =	simm.s32 $0x1;
	s10 =	simm.s32 $0x3;
	s13 =	simm.s32 $0x0  }
0x5: {  	s12 =	simm.s32 $0x0;
	s5 =	sand.u32 $0x1, s3;
	s6 =	sshll.u32 s1, $0x1  }
0x6: {  	s2 =	sadd.s32 $0x6400, s8;
	s3 =	sadd.s32 $0xC1E200, s8;
	s5 =	sor.u32 s6, s5  }
.Ltmp0:
0x7: {  	[sflag:s4] =	ssyncpa.u1 $0x0;
	p0 =	slt.u32 s5, $0x9;
	(pc) =	sbr.rel .LBB2_1-.Ltmp0, $4  }
0x8: {  	s6 =	simm.s32 $0x2;
	s7 =	simm.s32 @!p0 $0x0;
	p0 =	sne.s32 s5, $0x8  }
0x9: {  	[sflag:s6] =	ssyncpa.u1 $0x0;
	s5 =	smul.u32 $0x1F40, s5;
	s9 =	simm.s32 @!p0 $0x0  }
0xa: {  	s8 =	sadd.s32 $0x1142800, s8;
	[sflag:s10] =	ssyncpa.u1 $0x0;
	s7 =	sadd.s32 s9, s7  }
0xb: {  	vm0 =	vmmov $0xffff;
	s10 =	simm.s32 $0x0;
	s11 =	smov.u32 s5;
	s9 =	sadd.s32 $0x1, s7  }
.LBB2_4:
0xc: {  	vm2 =	veq.s32 v2, $0x80000000;
	v4 =	vand.u32 $0x3FFF, v4;
	v5 =	vor.u32 v6, v5  }
0xd: {  	v1 =	vand.u32 $0x3FFF, v1;
	v7 =	vshrl.u32 v2, $0xE;
	v56 =	vand.u32 $0x3FFF, v2  }
0xe: {  	v4 =	vsel vm1, $0xFFFFFFFF, v4;
	v3 =	vor.u32 v3, v5;
	v1 =	vsel vm1, $0xFFFFFFFF, v1  }
0xf: {  	vm1 =	vmmov vm2;
	v7 =	vand.u32 $0x3FFF, v7;
	v54 =	vshrl.u32 v4, $0x3  }
0x10: {  	v4 =	vshll.u32 v4, $0x7;
	v55 =	vshll.u32 v1, $0x3;
	v57 =	vsel vm1, $0xFFFFFFFF, v7  }
0x11: {  	v2 =	vsel vm1, $0xFFFFFFFF, v56;
	v1 =	vand.u32 $0x7F, v1;
	v5 =	vmul.u32 $0x13C00, v54  }
0x12: {  	v6 =	vand.u32 $0xFFFFFC00, v55;
	v4 =	vand.u32 $0x380, v4;
	v7 =	vshrl.u32 v57, $0x3  }
0x13: {  	v59 =	vshll.u32 v2, $0x3;
	v58 =	vmul.u32 $0x13C00, v7;
	v5 =	vadd.s32 v6, v5  }
0x14: {  	v7 =	vand.u32 $0xFFFFFC00, v59;
	v6 =	vshll.u32 v57, $0x7;
	v4 =	vor.u32 v4, v5  }
0x15: {  	v60 =	vadd.s32 v7, v58;
	v61 =	vand.u32 $0x380, v6;
	v1 =	vor.u32 v1, v4  }
0x16: {  	[tilespmem:s16], [sflag:$0x1] =	stream.indirect_vreg.gather [hbm4b:s2+s10], $0x1, v0, vm0, $0x4038;
	v62 =	vand.u32 $0x7F, v2;
	v63 =	vor.u32 v61, v60;
	[tilespmem:$0x7D00] =	vst v63  }
0x17: {  	(ifvalue) =	ssetifvalue $0x7FFFFFFF;
	v0 =	vor.u32 v62, v63  }
0x18: {  	[tilespmem:s15], [sflag:$0x1] =	stream.indirect_vreg.gather [hbm4b:s2+s10], $0x1, v3, vm0, $0x4038;
	[tilespmem:$0x7D00] =	vst v63  }
0x19: {  	s29 =	sadd.s32 $0x10, s15;
	(ifvalue) =	ssetifvalue $0x7FFFFFFF  }
0x1a: {  	[tilespmem:s29], [sflag:$0x1] =	stream.indirect_vreg.gather [hbm4b:s2+s10], $0x1, v1, vm0, $0x4038;
	[tilespmem:$0x7D00] =	vst v63  }
0x1b: {  	s15 =	sadd.s32 $0x10, s29;
	(ifvalue) =	ssetifvalue $0x7FFFFFFF  }
0x1c: {  	[tilespmem:s15], [sflag:$0x1] =	stream.indirect_vreg.gather [hbm4b:s2+s10], $0x1, v0, vm0, $0x4038;
	[tilespmem:$0x7D00] =	vst v63  }
0x1d: {  	_ =	swait.ge [sflag:s4], $0x1F40  }
0x1e: {  	s30 =	sshrl.u32 s13, $0x3;
	[sflag:s4] =	ssyncset.done $0x0  }
0x1f: {  	s31 =	sand.u32 $0x7, s13;
	s15 =	sadd.s32 s8, s30;
	[sflag:s4] =	ssyncadd.s32 $0xFFFFE0C0  }
0x20: {  	[hbm4b:s15+s31] =	stream.linear.scatter [tilespmem:s14], [sflag:$0x3], $0x1F40, $0x38;
	[tilespmem:$0x7D00] =	vst v63  }
.LBB2_5:
0x21: {  	s15 =	sadd.s32 $0x3E800, s11  }
0x22: {  	p1 =	sgt.s32 s15, $0x4E1FF  }
0x23: {  	s15 =	smov.u32 @p1 s5;
	p1 =	sne.s32 s12, s9  }
.Ltmp1:
0x24: {  	p0 =	slt.u32 s12, $0x2;
	(pc) =	sbr.rel @!p1 .LBB2_6-.Ltmp1, $4  }
0x25: {  	s14 =	simm.s32 @!p0 $0x3  }
0x26: {  	_ =	swait.ge @!p0 [sflag:s14], $0x1F40  }
0x27: {  	s16 =	sadd.s32 $0x1, s12;
	s13 =	smov.u32 s11;
	[sflag:s14] =	ssyncset.done @!p0 $0x0  }
0x28: {  	s12 =	smov.u32 s16;
	s11 =	smov.u32 s15;
	[sflag:s14] =	ssyncadd.s32 @!p0 $0xFFFFE0C0  }
.LBB2_1:
0x29: {  	p0 =	sge.u32 s12, s7  }
0x2a: {  	s14 =	sxor.u32 @!p0 $0x1, s12  }
0x2b: {  	s14 =	smul.u32 @!p0 $0x7D00, s14  }
0x2c: {  	s31 =	sadd.s32 $0xFFFFFFFF, s12;
	s15 =	sshrl.u32 @!p0 s11, $0x3  }
0x2d: {  	s16 =	sand.u32 @!p0 $0x7, s11;
	s15 =	sadd.s32 @!p0 s3, s15;
	s14 =	sshra.s32 @!p0 s14, $0x2  }
0x2e: {  	[tilespmem:s14], [sflag:$0x2] =	stream.linear.gather @!p0 [hbm4b:s15+s16], $0x1F40, $0x38;
	[tilespmem:$0x7D00] =	vst v63  }
0x2f: {  	p0 =	sge.u32 s31, s7  }
.Ltmp2:
0x30: {  	_ = 	snop;
	(pc) =	sbr.rel @p0 .LBB2_5-.Ltmp2, $1  }
0x31: {  	_ =	sdelay $0x3  }
0x32: {  	s14 =	sand.u32 $0x1, s12  }
0x33: {  	_ =	swait.ge [sflag:s6], $0x1F40;
	p0 =	seq.s32 s14, $0x1;
	s14 =	simm.s32 $0x1F40  }
0x34: {  	[sflag:s6] =	ssyncset.done $0x0;
	s14 =	simm.s32 @!p0 $0x0  }
0x35: {  	[sflag:s6] =	ssyncadd.s32 $0xFFFFE0C0;
	(ifvalue) =	ssetifvalue $0x7FFFFFFF;
	v0 =	vld.msk [tilespmem:s14+$0x0 ss:$0x1], $0xffff;
	_ =	sdelay $0x2  }
0x36: {  	s15 =	sadd.s32 $0x10, s14  }
0x37: {  	v2 =	vld.msk [tilespmem:s15+$0x0 ss:$0x1], $0xffff  }
0x38: {  	vm1 =	veq.s32 v0, $0x80000000;
	v1 =	vshrl.u32 v0, $0xE  }
0x39: {  	vm1 =	vmmov vm1;
	v3 =	vand.u32 $0x3FFF, v1  }
0x3a: {  	v0 =	vand.u32 $0x3FFF, v0;
	v3 =	vsel vm1, $0xFFFFFFFF, v3  }
0x3b: {  	s15 =	sadd.s32 $0x10, s15;
	v0 =	vsel vm1, $0xFFFFFFFF, v0;
	v4 =	vshrl.u32 v3, $0x3  }
0x3c: {  	v1 =	vld.msk [tilespmem:s15+$0x0 ss:$0x1], $0xffff;
	v6 =	vshrl.u32 v2, $0xE;
	v5 =	vshll.u32 v0, $0x3;
	v4 =	vmul.u32 $0x13C00, v4  }
0x3d: {  	vm1 =	veq.s32 v2, $0x80000000;
	v3 =	vshll.u32 v3, $0x7;
	v5 =	vand.u32 $0xFFFFFC00, v5  }
0x3e: {  	v0 =	vand.u32 $0x7F, v0;
	v3 =	vand.u32 $0x380, v3;
	v4 =	vadd.s32 v5, v4  }
0x3f: {  	vm1 =	vmmov vm1;
	v5 =	vand.u32 $0x3FFF, v6;
	v3 =	vor.u32 v3, v4  }
0x40: {  	v2 =	vand.u32 $0x3FFF, v2;
	v4 =	vsel vm1, $0xFFFFFFFF, v5;
	v0 =	vor.u32 v0, v3  }
0x41: {  	s15 =	sadd.s32 $0x10, s15;
	vm2 =	veq.s32 v1, $0x80000000;
	v3 =	vsel vm1, $0xFFFFFFFF, v2;
	v2 =	vshrl.u32 v4, $0x3  }
0x42: {  	s14 =	sadd.s32 $0x3E80, s14;
	v6 =	vshll.u32 v4, $0x7;
	v5 =	vmul.u32 $0x13C00, v2;
	v4 =	vshll.u32 v3, $0x3;
	v2 =	vld.msk [tilespmem:s15+$0x0 ss:$0x1], $0xffff  }
0x43: {  	s17 =	simm.s32 $0x30;
	s16 =	smov.u32 s14;
	vm1 =	vmmov vm2;
	v3 =	vand.u32 $0x7F, v3;
	v7 =	vand.u32 $0xFFFFFC00, v4  }
0x44: {  	s18 =	sadd.s32 $0x10, s15;
	v6 =	vand.u32 $0x380, v6;
	(ifvalue) =	ssetifvalue $0x7FFFFFFF;
	s15 =	sadd.s32 $0x10, s14;
	v4 =	vshrl.u32 v1, $0xE;
	v5 =	vadd.s32 v7, v5  }
.LBB2_3:
0x45: {  	[tilespmem:s16], [sflag:$0x1] =	stream.indirect_vreg.gather [hbm4b:s2+s10], $0x1, v0, vm0, $0x4038;
	[tilespmem:$0x7D00] =	vst v63  }
0x46: {  	s17 =	sadd.s32 $0x10, s17  }
0x47: {  	vm2 =	veq.s32 v2, $0x80000000;
	v4 =	vand.u32 $0x3FFF, v4;
	v5 =	vor.u32 v6, v5;
	v6 =	vmovc v2;
	v2 =	vld.msk [tilespmem:s18+$0x0 ss:$0x1], $0xffff;
	p0 =	slt.u32 s17, $0x1F30  }
.Ltmp3:
0x48: {  	v7 =	vand.u32 $0x3FFF, v1;
	s16 =	smov.u32 s15;
	v4 =	vsel vm1, $0xFFFFFFFF, v4;
	v0 =	vor.u32 v3, v5;
	v1 =	vmovc v6;
	(pc) =	sbr.rel @p0 .LBB2_3-.Ltmp3, $4  }
0x49: {  	v5 =	vsel vm1, $0xFFFFFFFF, v7;
	v6 =	vshrl.u32 v4, $0x3;
	v7 =	vshll.u32 v4, $0x7  }
0x4a: {  	v3 =	vand.u32 $0x7F, v5;
	v4 =	vshll.u32 v5, $0x3;
	v6 =	vmul.u32 $0x13C00, v6  }
0x4b: {  	vm1 =	vmmov vm2;
	v5 =	vand.u32 $0xFFFFFC00, v4  }
0x4c: {  	s18 =	sadd.s32 $0x10, s18;
	s15 =	sadd.s32 $0x10, s15;
	v4 =	vshrl.u32 v1, $0xE;
	v5 =	vadd.s32 v5, v6;
	v6 =	vand.u32 $0x380, v7;
	(ifvalue) =	ssetifvalue $0x7FFFFFFF  }
.Ltmp4:
0x4d: {  	_ = 	snop;
	(pc) =	sbr.rel .LBB2_4-.Ltmp4, $1  }
0x4e: {  	_ =	sdelay $0x3  }
.LBB2_6:
0x4f: {  	_ =	sfence.sel $0x180000  }
0x50: {  	s2 =	simm.s32 $0x2;
	[bflag:$0x0] =	sbarrier.arrive $0xFFFF  }
0x51: {  	s30 =	simm.s32 $0x3;
	[sflag:s2] =	ssyncpa.u1 $0x1  }
0x52: {  	s31 =	simm.s32 $0x1;
	[sflag:s30] =	ssyncpa.u1 $0x1  }
0x53: {  	[sflag:s31] =	ssyncpa.u1 $0x1  }
0x54: {  	p0 =	sne.s32 s1, $0x0;
	_ =	strace $0x90000047  }
0x55: {  	s0 =	sadd.s32 @!p0 $0x100000, s0;
	[bflag:$0x2] =	sbarrier.arrive $0xFFFF  }
0x56: {  	[sflag:s0] =	ssyncadd.tile.s32 @!p0 $0x1;
	_ =	shalt  }
.Lfunc_end2:
_tile_overlayer_lowered:
.L_overlay_start_2:
0x57: {  	(tag) =	ssettag $0x2  }
0x58: {  	s0 =	rddreg [dreg:$0x0];
	s2 =	stileid.u32  }
0x59: {  	s1 =	rddreg [dreg:$0x1];
	p0 =	sne.s32 s2, $0x0  }
0x5a: {  	s3 =	rddreg [dreg:$0x2];
	[bflag:$0x3] =	sbarrier.arrive $0xFFFF;
	s2 =	simm.s32 @!p0 $0x1C01  }
0x5b: {  	[timem:s3], [sflag:s2] =	dma.local @!p0 [hbm:s0], s1  }
0x5c: {  	s0 =	simm.s32 @!p0 $0x1  }
0x5d: {  	_ =	swait.ge @!p0 [sflag:s0], s1  }
0x5e: {  	s1 =	ssub.s32 @!p0 $0x0, s1;
	[sflag:s0] =	ssyncset.done @!p0 $0x0  }
0x5f: {  	[sflag:s0] =	ssyncadd.s32 @!p0 s1  }
0x60: {  	[bflag:$0x3] =	sbarrier.arrive $0xFFFF  }
0x61: {  	_ =	shalt  }

</sc_bundles>
